<compile_context>
chip_gen: v7x
topology: tpu7x:2x2x1
jax: 0.10.2.dev20260603
libtpu: 0.0.44.dev20260713+nightly
codegen_flags: <defaults>
</compile_context>

<pallas_src>
import functools

import jax
import jax.numpy as jnp
import numpy as np
from jax import lax
from jax.experimental import pallas as pl
from jax.experimental.pallas import tpu as pltpu
from jax.experimental.pallas import tpu_sc as plsc

_D = 10
_V = 27
_TFLAT = 280
_CHUNK = 4096


@functools.cache
def _make_kernel(n_flat):
  info = plsc.get_sparse_core_info()
  nc, ns = info.num_cores, info.num_subcores
  nw = nc * ns
  per_w = n_flat // nw
  n_chunks = per_w // _CHUNK
  groups = _CHUNK // 16
  mesh = plsc.VectorSubcoreMesh(core_axis_name="c", subcore_axis_name="s")

  @functools.partial(
      pl.kernel,
      out_type=jax.ShapeDtypeStruct((n_flat * _D,), jnp.float32),
      mesh=mesh,
      compiler_params=pltpu.CompilerParams(needs_layout_passes=False),
      scratch_types=[
          pltpu.VMEM((_TFLAT,), jnp.float32),
          pltpu.VMEM((_D, 16), jnp.int32),
          pltpu.VMEM((_D, 16), jnp.int32),
          pltpu.VMEM((_CHUNK,), jnp.int32),
          pltpu.VMEM((_CHUNK * _D,), jnp.float32),
      ],
  )
  def k(x_hbm, w_hbm, emap_hbm, dmap_hbm, out_hbm, table, emap, dmap, xv, outv):
    wid = lax.axis_index("s") * nc + lax.axis_index("c")
    pltpu.sync_copy(w_hbm, table)
    pltpu.sync_copy(emap_hbm, emap)
    pltpu.sync_copy(dmap_hbm, dmap)
    ejc = [emap[j] for j in range(_D)]
    djc = [dmap[j] for j in range(_D)]

    def chunk_body(c, carry):
      base = wid * per_w + c * _CHUNK
      pltpu.sync_copy(x_hbm.at[pl.ds(base, _CHUNK)], xv)

      def group_body(t, carry):
        x16 = xv[pl.ds(t * 16, 16)] * _D
        for j in range(_D):
          xe = jnp.take_along_axis(x16, ejc[j], axis=0, mode="promise_in_bounds")
          vals = plsc.load_gather(table, [xe + djc[j]])
          outv[pl.ds(t * 160 + j * 16, 16)] = vals
        return carry

      lax.fori_loop(0, groups, group_body, 0)
      pltpu.sync_copy(outv, out_hbm.at[pl.ds(base * _D, _CHUNK * _D)])
      return carry

    lax.fori_loop(0, n_chunks, chunk_body, 0)

  return k


_POS = np.arange(160, dtype=np.int32).reshape(_D, 16)
_EMAP = _POS // _D
_DMAP = _POS % _D


@jax.jit
def kernel(x, weight):
  n_flat = x.shape[0] * x.shape[1]
  wflat = jnp.zeros((_TFLAT,), jnp.float32).at[: _V * _D].set(weight.reshape(-1))
  out = _make_kernel(n_flat)(
      x.reshape(n_flat),
      wflat,
      jnp.asarray(_EMAP),
      jnp.asarray(_DMAP),
  )
  return out.reshape(x.shape[0], x.shape[1], _D)

# --- scband reference (transcript-rebuilt; emitter-appended) ---
"""Pipeline reference for scband-neural-network-46789373723242 (READ-ONLY COPY).

The authoritative reference and input builder live on the scoring server;
editing this copy changes nothing except your own understanding.
"""

import jax, jax.numpy as jnp
import numpy as np

NUM_EMBEDDINGS = 27
EMBED_DIM = 10

def setup_inputs(seed: int = 0) -> dict:
    key = jax.random.key(seed)
    k_idx, k_w = jax.random.split(key)
    x = jax.random.randint(k_idx, (16384, 200), 0, NUM_EMBEDDINGS, dtype=jnp.int64) if jax.config.read('jax_enable_x64') else jax.random.randint(k_idx, (16384, 200), 0, NUM_EMBEDDINGS, dtype=jnp.int32)
    weight = jax.random.normal(k_w, (NUM_EMBEDDINGS, EMBED_DIM), dtype=jnp.float32)
    return {"x": x, "weight": weight}

def reference(x, weight):
    # torch.nn.Embedding forward: gather rows of the table
    return jnp.take(weight, x, axis=0)

if __name__ == "__main__":
    import jax
    _d = setup_inputs()
    print(jax.jit(kernel)(*tuple(_d.values())))

</pallas_src>

<mosaic_0001>
#map = affine_map<(d0, d1) -> (0)>
#map1 = affine_map<(d0, d1) -> (0, 0)>
module attributes {stable_mosaic.version = 14 : i64} {
  func.func @k(%arg0: i32, %arg1: i32, %arg2: memref<3276800xi32, #tpu.memory_space<hbm>>, %arg3: memref<280xf32, #tpu.memory_space<hbm>>, %arg4: memref<10x16xi32, #tpu.memory_space<hbm>>, %arg5: memref<10x16xi32, #tpu.memory_space<hbm>>, %arg6: memref<32768000xf32, #tpu.memory_space<hbm>>, %arg7: memref<280xf32, #tpu.memory_space<vmem>>, %arg8: memref<10x16xi32, #tpu.memory_space<vmem>>, %arg9: memref<10x16xi32, #tpu.memory_space<vmem>>, %arg10: memref<4096xi32, #tpu.memory_space<vmem>>, %arg11: memref<40960xf32, #tpu.memory_space<vmem>>) attributes {dimension_semantics = [#tpu.dimension_semantics<core_parallel>, #tpu.dimension_semantics<subcore_parallel>], iteration_bounds = array<i64: 2, 16>, scalar_prefetch = 0 : i64, scratch_operands = 5 : i64, tpu.core_type = #tpu.core_type<sc_vector_subcore>, window_params = [{transform_indices = #map}, {transform_indices = #map}, {transform_indices = #map1}, {transform_indices = #map1}, {transform_indices = #map}]} {
    %mul3A = arith.constant 2 : i32
    %mul3A_0 = arith.muli %arg1, %mul3A : i32
    %add3A = arith.addi %mul3A_0, %arg0 : i32
    "tpu.region"() ({
      %run_scoped3A = tpu.sem_alloc : memref<!tpu.dma_semaphore, #tpu.memory_space<semaphore_mem>>
      tpu.enqueue_dma source(%arg3 : memref<280xf32, #tpu.memory_space<hbm>>) target(%arg7 : memref<280xf32, #tpu.memory_space<vmem>>) target_semaphore(%run_scoped3A : memref<!tpu.dma_semaphore, #tpu.memory_space<semaphore_mem>>)
      tpu.wait_dma2 semaphore(%run_scoped3A : memref<!tpu.dma_semaphore, #tpu.memory_space<semaphore_mem>>) src(%arg3 : memref<280xf32, #tpu.memory_space<hbm>>) dst(%arg7 : memref<280xf32, #tpu.memory_space<vmem>>)
      tpu.yield
    }) : () -> ()
    "tpu.region"() ({
      %run_scoped3A = tpu.sem_alloc : memref<!tpu.dma_semaphore, #tpu.memory_space<semaphore_mem>>
      tpu.enqueue_dma source(%arg4 : memref<10x16xi32, #tpu.memory_space<hbm>>) target(%arg8 : memref<10x16xi32, #tpu.memory_space<vmem>>) target_semaphore(%run_scoped3A : memref<!tpu.dma_semaphore, #tpu.memory_space<semaphore_mem>>)
      tpu.wait_dma2 semaphore(%run_scoped3A : memref<!tpu.dma_semaphore, #tpu.memory_space<semaphore_mem>>) src(%arg4 : memref<10x16xi32, #tpu.memory_space<hbm>>) dst(%arg8 : memref<10x16xi32, #tpu.memory_space<vmem>>)
      tpu.yield
    }) : () -> ()
    "tpu.region"() ({
      %run_scoped3A = tpu.sem_alloc : memref<!tpu.dma_semaphore, #tpu.memory_space<semaphore_mem>>
      tpu.enqueue_dma source(%arg5 : memref<10x16xi32, #tpu.memory_space<hbm>>) target(%arg9 : memref<10x16xi32, #tpu.memory_space<vmem>>) target_semaphore(%run_scoped3A : memref<!tpu.dma_semaphore, #tpu.memory_space<semaphore_mem>>)
      tpu.wait_dma2 semaphore(%run_scoped3A : memref<!tpu.dma_semaphore, #tpu.memory_space<semaphore_mem>>) src(%arg5 : memref<10x16xi32, #tpu.memory_space<hbm>>) dst(%arg9 : memref<10x16xi32, #tpu.memory_space<vmem>>)
      tpu.yield
    }) : () -> ()
    %get3A = arith.constant 0 : i32
    %get3A_1 = arith.index_cast %get3A : i32 to index
    %get3A_2 = arith.constant 0 : index
    %get3A_3 = tpu.vector_load %arg8[%get3A_1, %get3A_2] {strides = array<i32>} : memref<10x16xi32, #tpu.memory_space<vmem>>, vector<16xi32>,
    %get3A_4 = arith.constant 1 : i32
    %get3A_5 = arith.index_cast %get3A_4 : i32 to index
    %get3A_6 = arith.constant 0 : index
    %get3A_7 = tpu.vector_load %arg8[%get3A_5, %get3A_6] {strides = array<i32>} : memref<10x16xi32, #tpu.memory_space<vmem>>, vector<16xi32>,
    %get3A_8 = arith.constant 2 : i32
    %get3A_9 = arith.index_cast %get3A_8 : i32 to index
    %get3A_10 = arith.constant 0 : index
    %get3A_11 = tpu.vector_load %arg8[%get3A_9, %get3A_10] {strides = array<i32>} : memref<10x16xi32, #tpu.memory_space<vmem>>, vector<16xi32>,
    %get3A_12 = arith.constant 3 : i32
    %get3A_13 = arith.index_cast %get3A_12 : i32 to index
    %get3A_14 = arith.constant 0 : index
    %get3A_15 = tpu.vector_load %arg8[%get3A_13, %get3A_14] {strides = array<i32>} : memref<10x16xi32, #tpu.memory_space<vmem>>, vector<16xi32>,
    %get3A_16 = arith.constant 4 : i32
    %get3A_17 = arith.index_cast %get3A_16 : i32 to index
    %get3A_18 = arith.constant 0 : index
    %get3A_19 = tpu.vector_load %arg8[%get3A_17, %get3A_18] {strides = array<i32>} : memref<10x16xi32, #tpu.memory_space<vmem>>, vector<16xi32>,
    %get3A_20 = arith.constant 5 : i32
    %get3A_21 = arith.index_cast %get3A_20 : i32 to index
    %get3A_22 = arith.constant 0 : index
    %get3A_23 = tpu.vector_load %arg8[%get3A_21, %get3A_22] {strides = array<i32>} : memref<10x16xi32, #tpu.memory_space<vmem>>, vector<16xi32>,
    %get3A_24 = arith.constant 6 : i32
    %get3A_25 = arith.index_cast %get3A_24 : i32 to index
    %get3A_26 = arith.constant 0 : index
    %get3A_27 = tpu.vector_load %arg8[%get3A_25, %get3A_26] {strides = array<i32>} : memref<10x16xi32, #tpu.memory_space<vmem>>, vector<16xi32>,
    %get3A_28 = arith.constant 7 : i32
    %get3A_29 = arith.index_cast %get3A_28 : i32 to index
    %get3A_30 = arith.constant 0 : index
    %get3A_31 = tpu.vector_load %arg8[%get3A_29, %get3A_30] {strides = array<i32>} : memref<10x16xi32, #tpu.memory_space<vmem>>, vector<16xi32>,
    %get3A_32 = arith.constant 8 : i32
    %get3A_33 = arith.index_cast %get3A_32 : i32 to index
    %get3A_34 = arith.constant 0 : index
    %get3A_35 = tpu.vector_load %arg8[%get3A_33, %get3A_34] {strides = array<i32>} : memref<10x16xi32, #tpu.memory_space<vmem>>, vector<16xi32>,
    %get3A_36 = arith.constant 9 : i32
    %get3A_37 = arith.index_cast %get3A_36 : i32 to index
    %get3A_38 = arith.constant 0 : index
    %get3A_39 = tpu.vector_load %arg8[%get3A_37, %get3A_38] {strides = array<i32>} : memref<10x16xi32, #tpu.memory_space<vmem>>, vector<16xi32>,
    %get3A_40 = arith.constant 0 : i32
    %get3A_41 = arith.index_cast %get3A_40 : i32 to index
    %get3A_42 = arith.constant 0 : index
    %get3A_43 = tpu.vector_load %arg9[%get3A_41, %get3A_42] {strides = array<i32>} : memref<10x16xi32, #tpu.memory_space<vmem>>, vector<16xi32>,
    %get3A_44 = arith.constant 1 : i32
    %get3A_45 = arith.index_cast %get3A_44 : i32 to index
    %get3A_46 = arith.constant 0 : index
    %get3A_47 = tpu.vector_load %arg9[%get3A_45, %get3A_46] {strides = array<i32>} : memref<10x16xi32, #tpu.memory_space<vmem>>, vector<16xi32>,
    %get3A_48 = arith.constant 2 : i32
    %get3A_49 = arith.index_cast %get3A_48 : i32 to index
    %get3A_50 = arith.constant 0 : index
    %get3A_51 = tpu.vector_load %arg9[%get3A_49, %get3A_50] {strides = array<i32>} : memref<10x16xi32, #tpu.memory_space<vmem>>, vector<16xi32>,
    %get3A_52 = arith.constant 3 : i32
    %get3A_53 = arith.index_cast %get3A_52 : i32 to index
    %get3A_54 = arith.constant 0 : index
    %get3A_55 = tpu.vector_load %arg9[%get3A_53, %get3A_54] {strides = array<i32>} : memref<10x16xi32, #tpu.memory_space<vmem>>, vector<16xi32>,
    %get3A_56 = arith.constant 4 : i32
    %get3A_57 = arith.index_cast %get3A_56 : i32 to index
    %get3A_58 = arith.constant 0 : index
    %get3A_59 = tpu.vector_load %arg9[%get3A_57, %get3A_58] {strides = array<i32>} : memref<10x16xi32, #tpu.memory_space<vmem>>, vector<16xi32>,
    %get3A_60 = arith.constant 5 : i32
    %get3A_61 = arith.index_cast %get3A_60 : i32 to index
    %get3A_62 = arith.constant 0 : index
    %get3A_63 = tpu.vector_load %arg9[%get3A_61, %get3A_62] {strides = array<i32>} : memref<10x16xi32, #tpu.memory_space<vmem>>, vector<16xi32>,
    %get3A_64 = arith.constant 6 : i32
    %get3A_65 = arith.index_cast %get3A_64 : i32 to index
    %get3A_66 = arith.constant 0 : index
    %get3A_67 = tpu.vector_load %arg9[%get3A_65, %get3A_66] {strides = array<i32>} : memref<10x16xi32, #tpu.memory_space<vmem>>, vector<16xi32>,
    %get3A_68 = arith.constant 7 : i32
    %get3A_69 = arith.index_cast %get3A_68 : i32 to index
    %get3A_70 = arith.constant 0 : index
    %get3A_71 = tpu.vector_load %arg9[%get3A_69, %get3A_70] {strides = array<i32>} : memref<10x16xi32, #tpu.memory_space<vmem>>, vector<16xi32>,
    %get3A_72 = arith.constant 8 : i32
    %get3A_73 = arith.index_cast %get3A_72 : i32 to index
    %get3A_74 = arith.constant 0 : index
    %get3A_75 = tpu.vector_load %arg9[%get3A_73, %get3A_74] {strides = array<i32>} : memref<10x16xi32, #tpu.memory_space<vmem>>, vector<16xi32>,
    %get3A_76 = arith.constant 9 : i32
    %get3A_77 = arith.index_cast %get3A_76 : i32 to index
    %get3A_78 = arith.constant 0 : index
    %get3A_79 = tpu.vector_load %arg9[%get3A_77, %get3A_78] {strides = array<i32>} : memref<10x16xi32, #tpu.memory_space<vmem>>, vector<16xi32>,
    %scan3A = arith.constant 0 : i32
    %scan3A_80 = arith.constant 0 : i32
    %scan3A_81 = arith.constant 25 : i32
    %scan3A_82 = arith.addi %scan3A_80, %scan3A_81 : i32
    %scan3A_83 = arith.constant 1 : i32
    scf.for %scan3A_85 = %scan3A_80 to %scan3A_82 step %scan3A_83  : i32 {
      %mul3A_86 = arith.constant 102400 : i32
      %mul3A_87 = arith.muli %add3A, %mul3A_86 : i32
      %mul3A_88 = arith.constant 4096 : i32
      %mul3A_89 = arith.muli %scan3A_85, %mul3A_88 : i32
      %add3A_90 = arith.addi %mul3A_87, %mul3A_89 : i32
      "tpu.region"() ({
        %run_scoped3A = tpu.sem_alloc : memref<!tpu.dma_semaphore, #tpu.memory_space<semaphore_mem>>
        %dma_start3A = tpu.memref_slice %arg2[%add3A_90] : memref<3276800xi32, #tpu.memory_space<hbm>> -> memref<4096xi32, #tpu.memory_space<hbm>>
        %dma_start3A_99 = tpu.memref_slice %arg2[%add3A_90] : memref<3276800xi32, #tpu.memory_space<hbm>> -> memref<4096xi32, #tpu.memory_space<hbm>>
        tpu.enqueue_dma source(%dma_start3A_99 : memref<4096xi32, #tpu.memory_space<hbm>>) target(%arg10 : memref<4096xi32, #tpu.memory_space<vmem>>) target_semaphore(%run_scoped3A : memref<!tpu.dma_semaphore, #tpu.memory_space<semaphore_mem>>)
        %dma_wait3A = tpu.memref_slice %arg2[%add3A_90] : memref<3276800xi32, #tpu.memory_space<hbm>> -> memref<4096xi32, #tpu.memory_space<hbm>>
        %dma_wait3A_100 = tpu.memref_slice %arg2[%add3A_90] : memref<3276800xi32, #tpu.memory_space<hbm>> -> memref<4096xi32, #tpu.memory_space<hbm>>
        tpu.wait_dma2 semaphore(%run_scoped3A : memref<!tpu.dma_semaphore, #tpu.memory_space<semaphore_mem>>) src(%dma_wait3A_100 : memref<4096xi32, #tpu.memory_space<hbm>>) dst(%arg10 : memref<4096xi32, #tpu.memory_space<vmem>>)
        tpu.yield
      }) : () -> ()
      %scan3A_91 = arith.constant 0 : i32
      %scan3A_92 = arith.constant 0 : i32
      %scan3A_93 = arith.constant 256 : i32
      %scan3A_94 = arith.addi %scan3A_92, %scan3A_93 : i32
      %scan3A_95 = arith.constant 1 : i32
      scf.for %scan3A_99 = %scan3A_92 to %scan3A_94 step %scan3A_95  : i32 {
        %mul3A_100 = arith.constant 16 : i32
        %mul3A_101 = arith.muli %scan3A_99, %mul3A_100 : i32
        %get3A_102 = arith.index_cast %mul3A_101 : i32 to index
        %get3A_103 = tpu.vector_load %arg10[%get3A_102] {strides = array<i32>} : memref<4096xi32, #tpu.memory_space<vmem>>, vector<16xi32>,
        %mul3A_104 = arith.constant 10 : i32
        %mul3A_105 = vector.broadcast %mul3A_104 : i32 to vector<16xi32>
        %mul3A_106 = arith.muli %get3A_103, %mul3A_105 : vector<16xi32>
        %reshape3A = vector.shape_cast %get3A_3 : vector<16xi32> to vector<16x1xi32>
        %gather3A = vector.shape_cast %reshape3A : vector<16x1xi32> to vector<16xi32>
        %gather3A_107 = tpu.dynamic_gather %mul3A_106[%gather3A] in [0] : vector<16xi32>, vector<16xi32> -> vector<16xi32>
        %add3A_108 = arith.addi %gather3A_107, %get3A_43 : vector<16xi32>
        %gather3A_109 = tpu.vector_load_idx %arg7[%add3A_108] : memref<280xf32, #tpu.memory_space<vmem>>[vector<16xi32>], vector<16xf32>,
        %mul3A_110 = arith.constant 160 : i32
        %mul3A_111 = arith.muli %scan3A_99, %mul3A_110 : i32
        %add3A_112 = arith.constant 0 : i32
        %add3A_113 = arith.addi %mul3A_111, %add3A_112 : i32
        %swap3A = arith.index_cast %add3A_113 : i32 to index
        %swap3A_114 = tpu.vector_load %arg11[%swap3A] {strides = array<i32>} : memref<40960xf32, #tpu.memory_space<vmem>>, vector<16xf32>,
        tpu.vector_store %arg11[%swap3A], %gather3A_109 {strides = array<i32>} : memref<40960xf32, #tpu.memory_space<vmem>>, vector<16xf32>,
        %reshape3A_115 = vector.shape_cast %get3A_7 : vector<16xi32> to vector<16x1xi32>
        %gather3A_116 = vector.shape_cast %reshape3A_115 : vector<16x1xi32> to vector<16xi32>
        %gather3A_117 = tpu.dynamic_gather %mul3A_106[%gather3A_116] in [0] : vector<16xi32>, vector<16xi32> -> vector<16xi32>
        %add3A_118 = arith.addi %gather3A_117, %get3A_47 : vector<16xi32>
        %gather3A_119 = tpu.vector_load_idx %arg7[%add3A_118] : memref<280xf32, #tpu.memory_space<vmem>>[vector<16xi32>], vector<16xf32>,
        %mul3A_120 = arith.constant 160 : i32
        %mul3A_121 = arith.muli %scan3A_99, %mul3A_120 : i32
        %add3A_122 = arith.constant 16 : i32
        %add3A_123 = arith.addi %mul3A_121, %add3A_122 : i32
        %swap3A_124 = arith.index_cast %add3A_123 : i32 to index
        %swap3A_125 = tpu.vector_load %arg11[%swap3A_124] {strides = array<i32>} : memref<40960xf32, #tpu.memory_space<vmem>>, vector<16xf32>,
        tpu.vector_store %arg11[%swap3A_124], %gather3A_119 {strides = array<i32>} : memref<40960xf32, #tpu.memory_space<vmem>>, vector<16xf32>,
        %reshape3A_126 = vector.shape_cast %get3A_11 : vector<16xi32> to vector<16x1xi32>
        %gather3A_127 = vector.shape_cast %reshape3A_126 : vector<16x1xi32> to vector<16xi32>
        %gather3A_128 = tpu.dynamic_gather %mul3A_106[%gather3A_127] in [0] : vector<16xi32>, vector<16xi32> -> vector<16xi32>
        %add3A_129 = arith.addi %gather3A_128, %get3A_51 : vector<16xi32>
        %gather3A_130 = tpu.vector_load_idx %arg7[%add3A_129] : memref<280xf32, #tpu.memory_space<vmem>>[vector<16xi32>], vector<16xf32>,
        %mul3A_131 = arith.constant 160 : i32
        %mul3A_132 = arith.muli %scan3A_99, %mul3A_131 : i32
        %add3A_133 = arith.constant 32 : i32
        %add3A_134 = arith.addi %mul3A_132, %add3A_133 : i32
        %swap3A_135 = arith.index_cast %add3A_134 : i32 to index
        %swap3A_136 = tpu.vector_load %arg11[%swap3A_135] {strides = array<i32>} : memref<40960xf32, #tpu.memory_space<vmem>>, vector<16xf32>,
        tpu.vector_store %arg11[%swap3A_135], %gather3A_130 {strides = array<i32>} : memref<40960xf32, #tpu.memory_space<vmem>>, vector<16xf32>,
        %reshape3A_137 = vector.shape_cast %get3A_15 : vector<16xi32> to vector<16x1xi32>
        %gather3A_138 = vector.shape_cast %reshape3A_137 : vector<16x1xi32> to vector<16xi32>
        %gather3A_139 = tpu.dynamic_gather %mul3A_106[%gather3A_138] in [0] : vector<16xi32>, vector<16xi32> -> vector<16xi32>
        %add3A_140 = arith.addi %gather3A_139, %get3A_55 : vector<16xi32>
        %gather3A_141 = tpu.vector_load_idx %arg7[%add3A_140] : memref<280xf32, #tpu.memory_space<vmem>>[vector<16xi32>], vector<16xf32>,
        %mul3A_142 = arith.constant 160 : i32
        %mul3A_143 = arith.muli %scan3A_99, %mul3A_142 : i32
        %add3A_144 = arith.constant 48 : i32
        %add3A_145 = arith.addi %mul3A_143, %add3A_144 : i32
        %swap3A_146 = arith.index_cast %add3A_145 : i32 to index
        %swap3A_147 = tpu.vector_load %arg11[%swap3A_146] {strides = array<i32>} : memref<40960xf32, #tpu.memory_space<vmem>>, vector<16xf32>,
        tpu.vector_store %arg11[%swap3A_146], %gather3A_141 {strides = array<i32>} : memref<40960xf32, #tpu.memory_space<vmem>>, vector<16xf32>,
        %reshape3A_148 = vector.shape_cast %get3A_19 : vector<16xi32> to vector<16x1xi32>
        %gather3A_149 = vector.shape_cast %reshape3A_148 : vector<16x1xi32> to vector<16xi32>
        %gather3A_150 = tpu.dynamic_gather %mul3A_106[%gather3A_149] in [0] : vector<16xi32>, vector<16xi32> -> vector<16xi32>
        %add3A_151 = arith.addi %gather3A_150, %get3A_59 : vector<16xi32>
        %gather3A_152 = tpu.vector_load_idx %arg7[%add3A_151] : memref<280xf32, #tpu.memory_space<vmem>>[vector<16xi32>], vector<16xf32>,
        %mul3A_153 = arith.constant 160 : i32
        %mul3A_154 = arith.muli %scan3A_99, %mul3A_153 : i32
        %add3A_155 = arith.constant 64 : i32
        %add3A_156 = arith.addi %mul3A_154, %add3A_155 : i32
        %swap3A_157 = arith.index_cast %add3A_156 : i32 to index
        %swap3A_158 = tpu.vector_load %arg11[%swap3A_157] {strides = array<i32>} : memref<40960xf32, #tpu.memory_space<vmem>>, vector<16xf32>,
        tpu.vector_store %arg11[%swap3A_157], %gather3A_152 {strides = array<i32>} : memref<40960xf32, #tpu.memory_space<vmem>>, vector<16xf32>,
        %reshape3A_159 = vector.shape_cast %get3A_23 : vector<16xi32> to vector<16x1xi32>
        %gather3A_160 = vector.shape_cast %reshape3A_159 : vector<16x1xi32> to vector<16xi32>
        %gather3A_161 = tpu.dynamic_gather %mul3A_106[%gather3A_160] in [0] : vector<16xi32>, vector<16xi32> -> vector<16xi32>
        %add3A_162 = arith.addi %gather3A_161, %get3A_63 : vector<16xi32>
        %gather3A_163 = tpu.vector_load_idx %arg7[%add3A_162] : memref<280xf32, #tpu.memory_space<vmem>>[vector<16xi32>], vector<16xf32>,
        %mul3A_164 = arith.constant 160 : i32
        %mul3A_165 = arith.muli %scan3A_99, %mul3A_164 : i32
        %add3A_166 = arith.constant 80 : i32
        %add3A_167 = arith.addi %mul3A_165, %add3A_166 : i32
        %swap3A_168 = arith.index_cast %add3A_167 : i32 to index
        %swap3A_169 = tpu.vector_load %arg11[%swap3A_168] {strides = array<i32>} : memref<40960xf32, #tpu.memory_space<vmem>>, vector<16xf32>,
        tpu.vector_store %arg11[%swap3A_168], %gather3A_163 {strides = array<i32>} : memref<40960xf32, #tpu.memory_space<vmem>>, vector<16xf32>,
        %reshape3A_170 = vector.shape_cast %get3A_27 : vector<16xi32> to vector<16x1xi32>
        %gather3A_171 = vector.shape_cast %reshape3A_170 : vector<16x1xi32> to vector<16xi32>
        %gather3A_172 = tpu.dynamic_gather %mul3A_106[%gather3A_171] in [0] : vector<16xi32>, vector<16xi32> -> vector<16xi32>
        %add3A_173 = arith.addi %gather3A_172, %get3A_67 : vector<16xi32>
        %gather3A_174 = tpu.vector_load_idx %arg7[%add3A_173] : memref<280xf32, #tpu.memory_space<vmem>>[vector<16xi32>], vector<16xf32>,
        %mul3A_175 = arith.constant 160 : i32
        %mul3A_176 = arith.muli %scan3A_99, %mul3A_175 : i32
        %add3A_177 = arith.constant 96 : i32
        %add3A_178 = arith.addi %mul3A_176, %add3A_177 : i32
        %swap3A_179 = arith.index_cast %add3A_178 : i32 to index
        %swap3A_180 = tpu.vector_load %arg11[%swap3A_179] {strides = array<i32>} : memref<40960xf32, #tpu.memory_space<vmem>>, vector<16xf32>,
        tpu.vector_store %arg11[%swap3A_179], %gather3A_174 {strides = array<i32>} : memref<40960xf32, #tpu.memory_space<vmem>>, vector<16xf32>,
        %reshape3A_181 = vector.shape_cast %get3A_31 : vector<16xi32> to vector<16x1xi32>
        %gather3A_182 = vector.shape_cast %reshape3A_181 : vector<16x1xi32> to vector<16xi32>
        %gather3A_183 = tpu.dynamic_gather %mul3A_106[%gather3A_182] in [0] : vector<16xi32>, vector<16xi32> -> vector<16xi32>
        %add3A_184 = arith.addi %gather3A_183, %get3A_71 : vector<16xi32>
        %gather3A_185 = tpu.vector_load_idx %arg7[%add3A_184] : memref<280xf32, #tpu.memory_space<vmem>>[vector<16xi32>], vector<16xf32>,
        %mul3A_186 = arith.constant 160 : i32
        %mul3A_187 = arith.muli %scan3A_99, %mul3A_186 : i32
        %add3A_188 = arith.constant 112 : i32
        %add3A_189 = arith.addi %mul3A_187, %add3A_188 : i32
        %swap3A_190 = arith.index_cast %add3A_189 : i32 to index
        %swap3A_191 = tpu.vector_load %arg11[%swap3A_190] {strides = array<i32>} : memref<40960xf32, #tpu.memory_space<vmem>>, vector<16xf32>,
        tpu.vector_store %arg11[%swap3A_190], %gather3A_185 {strides = array<i32>} : memref<40960xf32, #tpu.memory_space<vmem>>, vector<16xf32>,
        %reshape3A_192 = vector.shape_cast %get3A_35 : vector<16xi32> to vector<16x1xi32>
        %gather3A_193 = vector.shape_cast %reshape3A_192 : vector<16x1xi32> to vector<16xi32>
        %gather3A_194 = tpu.dynamic_gather %mul3A_106[%gather3A_193] in [0] : vector<16xi32>, vector<16xi32> -> vector<16xi32>
        %add3A_195 = arith.addi %gather3A_194, %get3A_75 : vector<16xi32>
        %gather3A_196 = tpu.vector_load_idx %arg7[%add3A_195] : memref<280xf32, #tpu.memory_space<vmem>>[vector<16xi32>], vector<16xf32>,
        %mul3A_197 = arith.constant 160 : i32
        %mul3A_198 = arith.muli %scan3A_99, %mul3A_197 : i32
        %add3A_199 = arith.constant 128 : i32
        %add3A_200 = arith.addi %mul3A_198, %add3A_199 : i32
        %swap3A_201 = arith.index_cast %add3A_200 : i32 to index
        %swap3A_202 = tpu.vector_load %arg11[%swap3A_201] {strides = array<i32>} : memref<40960xf32, #tpu.memory_space<vmem>>, vector<16xf32>,
        tpu.vector_store %arg11[%swap3A_201], %gather3A_196 {strides = array<i32>} : memref<40960xf32, #tpu.memory_space<vmem>>, vector<16xf32>,
        %reshape3A_203 = vector.shape_cast %get3A_39 : vector<16xi32> to vector<16x1xi32>
        %gather3A_204 = vector.shape_cast %reshape3A_203 : vector<16x1xi32> to vector<16xi32>
        %gather3A_205 = tpu.dynamic_gather %mul3A_106[%gather3A_204] in [0] : vector<16xi32>, vector<16xi32> -> vector<16xi32>
        %add3A_206 = arith.addi %gather3A_205, %get3A_79 : vector<16xi32>
        %gather3A_207 = tpu.vector_load_idx %arg7[%add3A_206] : memref<280xf32, #tpu.memory_space<vmem>>[vector<16xi32>], vector<16xf32>,
        %mul3A_208 = arith.constant 160 : i32
        %mul3A_209 = arith.muli %scan3A_99, %mul3A_208 : i32
        %add3A_210 = arith.constant 144 : i32
        %add3A_211 = arith.addi %mul3A_209, %add3A_210 : i32
        %swap3A_212 = arith.index_cast %add3A_211 : i32 to index
        %swap3A_213 = tpu.vector_load %arg11[%swap3A_212] {strides = array<i32>} : memref<40960xf32, #tpu.memory_space<vmem>>, vector<16xf32>,
        tpu.vector_store %arg11[%swap3A_212], %gather3A_207 {strides = array<i32>} : memref<40960xf32, #tpu.memory_space<vmem>>, vector<16xf32>,
      }
      %scan3A_96 = arith.constant 256 : i32
      %mul3A_97 = arith.constant 10 : i32
      %mul3A_98 = arith.muli %add3A_90, %mul3A_97 : i32
      "tpu.region"() ({
        %run_scoped3A = tpu.sem_alloc : memref<!tpu.dma_semaphore, #tpu.memory_space<semaphore_mem>>
        %dma_start3A = tpu.memref_slice %arg6[%mul3A_98] : memref<32768000xf32, #tpu.memory_space<hbm>> -> memref<40960xf32, #tpu.memory_space<hbm>>
        %dma_start3A_99 = tpu.memref_slice %arg6[%mul3A_98] : memref<32768000xf32, #tpu.memory_space<hbm>> -> memref<40960xf32, #tpu.memory_space<hbm>>
        tpu.enqueue_dma source(%arg11 : memref<40960xf32, #tpu.memory_space<vmem>>) target(%dma_start3A_99 : memref<40960xf32, #tpu.memory_space<hbm>>) target_semaphore(%run_scoped3A : memref<!tpu.dma_semaphore, #tpu.memory_space<semaphore_mem>>)
        %dma_wait3A = tpu.memref_slice %arg6[%mul3A_98] : memref<32768000xf32, #tpu.memory_space<hbm>> -> memref<40960xf32, #tpu.memory_space<hbm>>
        %dma_wait3A_100 = tpu.memref_slice %arg6[%mul3A_98] : memref<32768000xf32, #tpu.memory_space<hbm>> -> memref<40960xf32, #tpu.memory_space<hbm>>
        tpu.wait_dma2 semaphore(%run_scoped3A : memref<!tpu.dma_semaphore, #tpu.memory_space<semaphore_mem>>) src(%arg11 : memref<40960xf32, #tpu.memory_space<vmem>>) dst(%dma_wait3A_100 : memref<40960xf32, #tpu.memory_space<hbm>>)
        tpu.yield
      }) : () -> ()
    }
    %scan3A_84 = arith.constant 25 : i32
    return
  }
}

</mosaic_0001>

<sc_bundles>
// kernel: kernel.3.cloned.1.call-start
scs
__scs_entry_jumppad:
0x0: {  	(pc) =	sbr.rel $0x88, $3  }
0x1: {  	(tag) =	ssettag $0x0;
	lr =	simm.s32 $0x1  }
0x2: {  	[smem:$0x3F9F] =	sst lr;
	_ =	strace $0xD0000000  }
0x3: {  	_ = 	snop  }
0x4: {  	_ = 	snop  }
0x5: {  	_ = 	snop  }
0x6: {  	_ = 	snop  }
0x7: {  	_ = 	snop  }
__scs_overlays_trampoline_lowered:
0x8: {  	[smem:$0x3FAE] =	sst s0  }
0x9: {  	[smem:$0x3FAF] =	sst s1  }
0xa: {  	[smem:$0x3FB0] =	sst s2  }
0xb: {  	[smem:$0x3FB1] =	sst s3  }
0xc: {  	[smem:$0x3FB2] =	sst s4  }
0xd: {  	[smem:$0x3FB3] =	sst s5  }
0xe: {  	[smem:$0x3FB4] =	sst s6  }
0xf: {  	[smem:$0x3FB5] =	sst s7  }
0x10: {  	[smem:$0x3FB6] =	sst s8  }
0x11: {  	[smem:$0x3FB7] =	sst s9;
	s0 =	simm.s32 @!p0 $0x0  }
0x12: {  	s1 =	sld [smem:$0x3F9D];
	s0 =	simm.s32 @p0 $0x1  }
0x13: {  	[smem:$0x3FB8] =	sst s0;
	s0 =	simm.s32 @!p1 $0x0  }
0x14: {  	s2 =	sld [smem:$0x3F9C];
	s0 =	simm.s32 @p1 $0x1  }
0x15: {  	[smem:$0x3FB9] =	sst s0;
	s0 =	simm.s32 @!p2 $0x0  }
0x16: {  	s3 =	sld [smem:$0x3FDB];
	s0 =	simm.s32 @p2 $0x1  }
0x17: {  	s4 =	simm.s32 $0x1BF5;
	[smem:$0x3FBB] =	sst s0  }
0x18: {  	s0 =	sld [smem:$0x3F9E];
	_ =	swait.ge [sflag:s4], $0x0  }
0x19: {  	s7 =	sld [smem:$0x3F9F]  }
0x1a: {  	s8 =	sadd.s32 $0xFFFFE003, lr  }
0x1b: {  	s9 =	sadd.s32 $0xFFFFFEF7, lr;
	s5 =	simm.s32 $0xFFFFFFFF;
	p2 =	slt.u32 s8, $0xFFFFF086  }
0x1c: {  	p1 =	slt.u32 s9, $0xF7A;
	s5 =	simm.s32 @!p2 $0x0  }
0x1d: {  	s5 =	simm.s32 @p1 $0x1;
	p0 =	seq.s32 s7, s2  }
0x1e: {  	s7 =	smul.u32 @!p0 $0xF7A, s2;
	p2 =	seq.s32 @!p0 s5, $0x0  }
0x1f: {  	s9 =	smul.u32 $0xF7A, s1;
	s8 =	simm.s32 @!p0 $0x1BF5;
	p2 =	por !p2, p0  }
0x20: {  	[sflag:s8] =	ssyncset.s32 @!p0 $0xFFFFF086;
	s6 =	sadd.s32 @!p0 s3, s7;
	s7 =	simm.s32 @!p0 $0x108  }
0x21: {  	s3 =	sadd.s32 s3, s9;
	s6 =	sadd.s32 @!p0 $0x88, s6;
	s7 =	simm.s32 @p2 $0x1082  }
0x22: {  	[simem:s7], [sflag:s8] =	dma.local @!p0 [hbm:s6], $0xF7A  }
0x23: {  	s9 =	sor.u32 $0xD0000000, s2;
	s6 =	simm.s32 $0x108;
	_ =	swait.ge @!p0 [sflag:s8], $0x0  }
0x24: {  	s3 =	sadd.s32 $0x88, s3;
	s6 =	simm.s32 @!p1 $0x1082;
	[sflag:s4] =	ssyncset.s32 $0xFFFFF086  }
0x25: {  	[simem:s6], [sflag:s4] =	dma.local [hbm:s3], $0xF7A  }
0x26: {  	[smem:$0x3F9F] =	sst s1;
	(tag) =	ssettag s2;
	_ =	strace s9  }
0x27: {  	s1 =	sld [smem:$0x3FAF]  }
0x28: {  	s2 =	sld [smem:$0x3FB0]  }
0x29: {  	s4 =	sld [smem:$0x3FB2]  }
0x2a: {  	p0 =	seq.s32 s5, $0x0;
	s5 =	sld [smem:$0x3FB3]  }
0x2b: {  	s6 =	sld [smem:$0x3FB4]  }
0x2c: {  	s7 =	sld [smem:$0x3FB5]  }
0x2d: {  	s3 =	simm.s32 $0x108;
	s8 =	sld [smem:$0x3FB6]  }
0x2e: {  	s3 =	simm.s32 @!p0 $0x1082;
	s9 =	sld [smem:$0x3FB7]  }
0x2f: {  	lr =	sadd.s32 s0, s3;
	s0 =	sld [smem:$0x3FAE]  }
0x30: {  	s3 =	sld [smem:$0x3FB1]  }
0x31: {  	[smem:$0x3FBA] =	sst s10  }
0x32: {  	s10 =	sld [smem:$0x3FB8];
	_ =	sdelay $0x3  }
0x33: {  	p0 =	seq.s32 s10, $0x1;
	s10 =	sld [smem:$0x3FBA];
	_ =	sdelay $0x3  }
0x34: {  	[smem:$0x3FBA] =	sst s10  }
0x35: {  	s10 =	sld [smem:$0x3FB9];
	_ =	sdelay $0x3  }
0x36: {  	p1 =	seq.s32 s10, $0x1;
	s10 =	sld [smem:$0x3FBA];
	_ =	sdelay $0x3  }
0x37: {  	[smem:$0x3FBA] =	sst s10  }
0x38: {  	s10 =	sld [smem:$0x3FBB]  }
0x39: {  	_ = 	snop;
	(pc) =	sbr.ind lr, $3  }
0x3a: {  	_ = 	snop  }
0x3b: {  	_ = 	snop  }
0x3c: {  	p2 =	seq.s32 s10, $0x1;
	s10 =	sld [smem:$0x3FBA]  }
0x3d: {  	_ =	shalt  }
0x3e: {  	_ =	shalt  }
0x3f: {  	_ =	shalt  }
0x40: {  	_ =	shalt  }
0x41: {  	_ =	shalt  }
0x42: {  	_ =	shalt  }
0x43: {  	_ =	shalt  }
0x44: {  	_ =	shalt  }
0x45: {  	_ =	shalt  }
0x46: {  	_ =	shalt  }
0x47: {  	_ =	shalt  }
0x48: {  	_ =	shalt  }
0x49: {  	_ =	shalt  }
0x4a: {  	_ =	shalt  }
0x4b: {  	_ =	shalt  }
0x4c: {  	_ =	shalt  }
0x4d: {  	_ =	shalt  }
0x4e: {  	_ =	shalt  }
0x4f: {  	_ =	shalt  }
0x50: {  	_ =	shalt  }
0x51: {  	_ =	shalt  }
0x52: {  	_ =	shalt  }
0x53: {  	_ =	shalt  }
0x54: {  	_ =	shalt  }
0x55: {  	_ =	shalt  }
0x56: {  	_ =	shalt  }
0x57: {  	_ =	shalt  }
0x58: {  	_ =	shalt  }
0x59: {  	_ =	shalt  }
0x5a: {  	_ =	shalt  }
0x5b: {  	_ =	shalt  }
0x5c: {  	_ =	shalt  }
0x5d: {  	_ =	shalt  }
0x5e: {  	_ =	shalt  }
0x5f: {  	_ =	shalt  }
0x60: {  	_ =	shalt  }
0x61: {  	_ =	shalt  }
0x62: {  	_ =	shalt  }
0x63: {  	_ =	shalt  }
0x64: {  	_ =	shalt  }
0x65: {  	_ =	shalt  }
0x66: {  	_ =	shalt  }
0x67: {  	_ =	shalt  }
0x68: {  	_ =	shalt  }
0x69: {  	_ =	shalt  }
0x6a: {  	_ =	shalt  }
0x6b: {  	_ =	shalt  }
0x6c: {  	_ =	shalt  }
0x6d: {  	_ =	shalt  }
0x6e: {  	_ =	shalt  }
0x6f: {  	_ =	shalt  }
0x70: {  	_ =	shalt  }
0x71: {  	_ =	shalt  }
0x72: {  	_ =	shalt  }
0x73: {  	_ =	shalt  }
0x74: {  	_ =	shalt  }
0x75: {  	_ =	shalt  }
0x76: {  	_ =	shalt  }
0x77: {  	_ =	shalt  }
0x78: {  	_ =	shalt  }
0x79: {  	_ =	shalt  }
0x7a: {  	_ =	shalt  }
0x7b: {  	_ =	shalt  }
0x7c: {  	_ =	shalt  }
0x7d: {  	_ =	shalt  }
0x7e: {  	_ =	shalt  }
0x7f: {  	_ =	shalt  }
0x80: {  	_ =	shalt  }
0x81: {  	_ =	shalt  }
0x82: {  	_ =	shalt  }
0x83: {  	_ =	shalt  }
0x84: {  	_ =	shalt  }
0x85: {  	_ =	shalt  }
0x86: {  	_ =	shalt  }
0x87: {  	_ =	shalt  }
.Lfunc_end0:
.L_simem_size_0:
called_computation.1_lowered:
.L_overlay_start_0:
0x88: {  	s2 =	sld [smem:$0x3FD9]  }
0x89: {  	s3 =	sld [smem:$0x3FFE];
	_ =	sdelay $0x1  }
0x8a: {  	s1 =	srdreg.scid  }
0x8b: {  	s0 =	sand.u32 $0x1, s1  }
0x8c: {  	s17 =	sshll.u32 s0, $0xA;
	s2 =	sadd.s32 s3, s2  }
0x8d: {  	s2 =	sadd.s32 s2, s17  }
0x8e: {  	[smem:$0x3FC6] =	sst s2  }
0x8f: {  	_ = 	snop  }
0x90: {  	s2 =	sld [smem:$0x3FD0];
	(tm) =	ssettm $0x1  }
0x91: {  	s18 =	sld [smem:$0x3FFB];
	_ =	sdelay $0x3  }
0x92: {  	_ =	strace s18  }
0x93: {  	s3 =	sld [smem:$0x3FFC];
	_ =	sdelay $0x3  }
0x94: {  	_ =	strace s3  }
0x95: {  	s3 =	sld [smem:$0x3FFD];
	_ =	sdelay $0x3  }
0x96: {  	_ =	strace s3  }
0x97: {  	_ =	strace $0x8FFFFFFF  }
0x98: {  	s19 =	sld [smem:$0x3FDB];
	_ =	sdelay $0x1  }
0x99: {  	s4 =	simm.s32 $_scs_section_size  }
0x9a: {  	s5 =	simm.s32 $_size__tile_overlayer_lowered;
	s6 =	simm.s32 $_tile_overlayer_lowered  }
0x9b: {  	s22 =	simm.s32 $0x1BFF;
	s21 =	sshll.u32 s6, $0x1;
	s3 =	sadd.s32 s4, s19  }
0x9c: {  	s7 =	simm.s32 $0x0;
	s20 =	sshll.u32 s5, $0x1;
	s5 =	sadd.s32 s21, s3  }
0x9d: {  	[timem:s7], [sflag:s22] =	dma.local [hbm:s5], s20  }
0x9e: {  	_ =	swait.ge [sflag:s22], s20  }
0x9f: {  	s4 =	ssub.s32 $0x0, s20;
	[sflag:s22] =	ssyncset.done $0x0  }
0xa0: {  	[sflag:s22] =	ssyncadd.s32 s4;
	_ =	sdelay $0x1  }
0xa1: {  	s23 =	simm.s32 $0x1B8B  }
0xa2: {  	_ =	swait.ge [sflag:s23], $0x1  }
0xa3: {  	[sflag:s23] =	ssyncset.done $0x0  }
0xa4: {  	s25 =	simm.s32 $0x1B8E;
	s24 =	sld [smem:$0x3FFE];
	[sflag:s23] =	ssyncadd.s32 $0xFFFFFFFF  }
0xa5: {  	s26 =	simm.s32 $execute0_lowered;
	[smem:$0x3FD2] =	sst s25  }
0xa6: {  	s5 =	sshll.u32 s26, $0x1;
	_ =	strace $0x80000046;
	[dreg:$0x1] =	wrdreg $0xFFFFFFFF  }
0xa7: {  	s28 =	simm.s32 $_size_execute0_lowered;
	s3 =	sadd.s32 s3, s5;
	[dreg:$0x0] =	wrdreg $0x0  }
0xa8: {  	s5 =	sshll.u32 s28, $0x1;
	[dreg:$0x2] =	wrdreg s3  }
0xa9: {  	[dreg:$0x3] =	wrdreg s5  }
0xaa: {  	[dreg:$0x4] =	wrdreg $0xC0  }
0xab: {  	_ =	task [dreg:s7], $0x5FFFF  }
0xac: {  	[dreg:$0x1] =	wrdreg $0xFFFFFFFF  }
0xad: {  	[dreg:$0x0] =	wrdreg $0x60  }
0xae: {  	[dreg:$0x2] =	wrdreg s24  }
0xaf: {  	[dreg:$0x3] =	wrdreg s2  }
0xb0: {  	[dreg:$0x4] =	wrdreg $0x9  }
0xb1: {  	_ =	task.clear_ibuf [dreg:s7], $0x5FFFF;
	_ =	strace $0x90000046  }
0xb2: {  	s29 =	simm.s32 $0x9;
	_ =	strace $0x80000048  }
0xb3: {  	_ =	swait.ge [sflag:s29], $0x1  }
0xb4: {  	[sflag:s29] =	ssyncadd.s32 $0xFFFFFFFF  }
0xb5: {  	_ =	strace $0x90000048  }
0xb6: {  	_ =	sfence  }
0xb7: {  	s30 =	sld [smem:$0x0];
	_ =	sdelay $0x2  }
0xb8: {  	s31 =	sshll.u32 s1, $0xD;
	s1 =	sshrl.u32 s1, $0x2  }
0xb9: {  	s3 =	sand.u32 $0x4000, s31;
	s1 =	sadd.s32 s1, s30  }
0xba: {  	s0 =	sor.u32 s3, s0;
	s1 =	sshll.u32 s1, $0x11  }
0xbb: {  	s0 =	sor.u32 s1, s0  }
0xbc: {  	s0 =	sadd.s32 $0x8F2B, s0  }
0xbd: {  	[sflag:s0] =	ssyncadd.remote.s32 $0x1  }
0xbe: {  	_ =	sfence.sel $0xFFFF  }
0xbf: {  	[dreg:$0x0] =	wrdreg $0xFFFFFFFF;
	(pc) =	sbr.abs _section_cstart, $3  }
0xc0: {  	[dreg:$0x1] =	wrdreg $0xFFFFFFFF  }
0xc1: {  	_ =	task.clear_ibuf [dreg:s7], $0x2FFFF;
	_ =	strace $0x9FFFFFFF  }
0xc2: {  	(tm) =	ssettm $0x7FFFFFFF  }
0xc3: {  	_ =	shalt  }
tec
execute0_lowered:
.L_overlay_start_1:
0x0: {  	(tag) =	ssettag $0x1  }
0x1: {  	s7 =	rddreg [dreg:$0x0]  }
0x2: {  	s1 =	rddreg [dreg:$0x1]  }
0x3: {  	s0 =	rddreg [dreg:$0x2];
	s2 =	simm.s32 $0x0  }
0x4: {  	s5 =	srdreg.scid;
	s3 =	stileid.u32;
	s12 =	simm.s32 $0x980  }
0x5: {  	s13 =	simm.s32 $0x2180;
	s14 =	simm.s32 $0x0;
	[smem:$0x7FF] =	sst s2  }
0x6: {  	s4 =	sadd.s32 $0x800, s7;
	s8 =	sand.u32 $0x1, s5;
	s5 =	sadd.s32 $0x64800, s7  }
0x7: {  	s10 =	sshll.u32 s3, $0x1;
	s6 =	sadd.s32 $0x64C00, s7;
	s9 =	ssub.s32 $0x2, s8  }
0x8: {  	s7 =	sadd.s32 $0x64A00, s7;
	_ =	strace $0x80000047;
	s11 =	sshrl.u32 s9, $0x1  }
0x9: {  	s8 =	sor.u32 s8, s10;
	s10 =	simm.s32 $0x1;
	s9 =	ssub.s32 s9, s11  }
0xa: {  	s8 =	smul.u32 $0x19000, s8;
	s11 =	simm.s32 $0x180;
	s9 =	smax.u32 s9, $0x1  }
.LBB2_1:
0xb: {  	[tilespmem:s2], [sflag:$0x1] =	stream.linear.gather [hbm4b:s5+s2], $0x180, $0x38;
	[tilespmem:$0xC180] =	vst v63  }
0xc: {  	_ =	swait.ge [sflag:s10], $0x180  }
0xd: {  	[sflag:s10] =	ssyncset.done $0x0  }
0xe: {  	[sflag:s10] =	ssyncadd.s32 $0xFFFFFE80  }
0xf: {  	[tilespmem:s11], [sflag:$0x1] =	stream.linear.gather [hbm4b:s6+s2], $0x500, $0x38;
	[tilespmem:$0xC180] =	vst v63  }
0x10: {  	_ =	swait.ge [sflag:s10], $0x500  }
0x11: {  	[sflag:s10] =	ssyncset.done $0x0  }
0x12: {  	[sflag:s10] =	ssyncadd.s32 $0xFFFFFB00  }
0x13: {  	[tilespmem:s12], [sflag:$0x1] =	stream.linear.gather [hbm4b:s7+s2], $0x500, $0x38;
	[tilespmem:$0xC180] =	vst v63  }
0x14: {  	_ =	swait.ge [sflag:s10], $0x500  }
0x15: {  	[sflag:s10] =	ssyncset.done $0x0  }
0x16: {  	[sflag:s10] =	ssyncadd.s32 $0xFFFFFB00  }
0x17: {  	v0 =	vld [tilespmem:$0x180]  }
0x18: {  	v1 =	vld [tilespmem:$0x200]  }
0x19: {  	v2 =	vld [tilespmem:$0x280]  }
0x1a: {  	v3 =	vld [tilespmem:$0x300]  }
0x1b: {  	v4 =	vld [tilespmem:$0x380]  }
0x1c: {  	v5 =	vld [tilespmem:$0x400]  }
0x1d: {  	v6 =	vld [tilespmem:$0x480]  }
0x1e: {  	v7 =	vld [tilespmem:$0x500]  }
0x1f: {  	v8 =	vld [tilespmem:$0x580]  }
0x20: {  	v9 =	vld [tilespmem:$0x600]  }
0x21: {  	v10 =	vld [tilespmem:$0x980]  }
0x22: {  	v11 =	vld [tilespmem:$0xA00]  }
0x23: {  	v12 =	vld [tilespmem:$0xA80]  }
0x24: {  	v13 =	vld [tilespmem:$0xB00]  }
0x25: {  	v14 =	vld [tilespmem:$0xB80]  }
0x26: {  	v15 =	vld [tilespmem:$0xC00]  }
0x27: {  	v16 =	vld [tilespmem:$0xC80]  }
0x28: {  	v17 =	vld [tilespmem:$0xD00]  }
0x29: {  	v18 =	vld [tilespmem:$0xD80]  }
0x2a: {  	s15 =	simm.s32 $0x0;
	v19 =	vld [tilespmem:$0xE00]  }
.LBB2_2:
0x2b: {  	s16 =	sshll.u32 s15, $0xC  }
0x2c: {  	s16 =	sadd.s32 s8, s16  }
0x2d: {  	s17 =	sshrl.u32 s16, $0x3  }
0x2e: {  	s18 =	simm.s32 $0x0;
	s19 =	simm.s32 $0x1180;
	s17 =	sadd.s32 s4, s17  }
0x2f: {  	[tilespmem:s19], [sflag:$0x1] =	stream.linear.gather [hbm4b:s17+s18], $0x1000, $0x38;
	[tilespmem:$0xC180] =	vst v63  }
0x30: {  	_ =	swait.ge [sflag:s10], $0x1000  }
0x31: {  	[sflag:s10] =	ssyncset.done $0x0  }
0x32: {  	[sflag:s10] =	ssyncadd.s32 $0xFFFFF000  }
0x33: {  	v20 =	vld [tilespmem:s19+$0x0];
	_ =	sdelay $0x4  }
0x34: {  	v20 =	vmul.u32 $0xA, v20;
	_ =	sdelay $0x1  }
0x35: {  	v21 =	vperm.xlane v20, v0;
	_ =	sdelay $0x1  }
0x36: {  	v21 =	vadd.s32 v10, v21;
	_ =	sdelay $0x3  }
0x37: {  	v22 =	vperm.xlane v20, v1  }
0x38: {  	v21 =	vld.idx.msk [tilespmem:v21+s2+$0x0], $0xffff  }
0x39: {  	v22 =	vadd.s32 v11, v22;
	_ =	sdelay $0x2  }
0x3a: {  	s17 =	simm.s32 $0x21D0  }
0x3b: {  	[tilespmem:s17+$0xFFFFFFB0] =	vst v21;
	v21 =	vperm.xlane v20, v2  }
0x3c: {  	v22 =	vld.idx.msk [tilespmem:v22+s2+$0x0], $0xffff  }
0x3d: {  	v21 =	vadd.s32 v12, v21;
	_ =	sdelay $0x3  }
0x3e: {  	[tilespmem:s17+$0xFFFFFFC0] =	vst v22;
	v22 =	vperm.xlane v20, v3  }
0x3f: {  	v21 =	vld.idx.msk [tilespmem:v21+s2+$0x0], $0xffff  }
0x40: {  	v22 =	vadd.s32 v13, v22;
	_ =	sdelay $0x3  }
0x41: {  	[tilespmem:s17+$0xFFFFFFD0] =	vst v21;
	v21 =	vperm.xlane v20, v4  }
0x42: {  	v22 =	vld.idx.msk [tilespmem:v22+s2+$0x0], $0xffff  }
0x43: {  	v21 =	vadd.s32 v14, v21;
	_ =	sdelay $0x3  }
0x44: {  	[tilespmem:s17+$0xFFFFFFE0] =	vst v22;
	v22 =	vperm.xlane v20, v5  }
0x45: {  	v21 =	vld.idx.msk [tilespmem:v21+s2+$0x0], $0xffff  }
0x46: {  	v22 =	vadd.s32 v15, v22;
	_ =	sdelay $0x3  }
0x47: {  	[tilespmem:s17+$0xFFFFFFF0] =	vst v21;
	v21 =	vperm.xlane v20, v6  }
0x48: {  	v22 =	vld.idx.msk [tilespmem:v22+s2+$0x0], $0xffff  }
0x49: {  	v21 =	vadd.s32 v16, v21;
	_ =	sdelay $0x3  }
0x4a: {  	[tilespmem:s17+$0x0] =	vst v22;
	v22 =	vperm.xlane v20, v7  }
0x4b: {  	v21 =	vld.idx.msk [tilespmem:v21+s2+$0x0], $0xffff  }
0x4c: {  	v22 =	vadd.s32 v17, v22;
	_ =	sdelay $0x3  }
0x4d: {  	[tilespmem:s17+$0x10] =	vst v21;
	v21 =	vperm.xlane v20, v8  }
0x4e: {  	v22 =	vld.idx.msk [tilespmem:v22+s2+$0x0], $0xffff  }
0x4f: {  	v21 =	vadd.s32 v18, v21;
	_ =	sdelay $0x3  }
0x50: {  	v20 =	vperm.xlane v20, v9;
	[tilespmem:s17+$0x20] =	vst v22  }
0x51: {  	v21 =	vld.idx.msk [tilespmem:v21+s2+$0x0], $0xffff  }
0x52: {  	v20 =	vadd.s32 v19, v20;
	_ =	sdelay $0x2  }
0x53: {  	s18 =	sand.u32 $0xFFE0, s18  }
0x54: {  	[tilespmem:s18+$0x2200] =	vst v21  }
0x55: {  	v20 =	vld.idx.msk [tilespmem:v20+s2+$0x0], $0xffff;
	_ =	sdelay $0x4  }
0x56: {  	s19 =	simm.s32 $0x1190;
	[tilespmem:s17+$0x40] =	vst v20  }
0x57: {  	s20 =	simm.s32 $0x140;
	s18 =	simm.s32 $0xA0;
	v20 =	vld [tilespmem:s19+$0x0]  }
.LBB2_3:
0x58: {  	p0 =	sne.s32 s20, $0x9F60;
	_ =	sdelay $0x3  }
0x59: {  	v20 =	vmul.u32 $0xA, v20;
	_ =	sdelay $0x1  }
0x5a: {  	v21 =	vperm.xlane v20, v0;
	_ =	sdelay $0x1  }
0x5b: {  	v21 =	vadd.s32 v10, v21;
	_ =	sdelay $0x4  }
0x5c: {  	v22 =	vperm.xlane v20, v1;
	v21 =	vld.idx.msk [tilespmem:v21+s2+$0x0], $0xffff;
	_ =	sdelay $0x1  }
0x5d: {  	v22 =	vadd.s32 v11, v22;
	_ =	sdelay $0x2  }
0x5e: {  	s17 =	sadd.s32 $0xA0, s17  }
0x5f: {  	[tilespmem:s17+$0xFFFFFFB0] =	vst v21  }
0x60: {  	v21 =	vld.idx.msk [tilespmem:v22+s2+$0x0], $0xffff;
	v22 =	vperm.xlane v20, v2;
	_ =	sdelay $0x1  }
0x61: {  	v22 =	vadd.s32 v12, v22;
	_ =	sdelay $0x3  }
0x62: {  	[tilespmem:s17+$0xFFFFFFC0] =	vst v21  }
0x63: {  	v21 =	vld.idx.msk [tilespmem:v22+s2+$0x0], $0xffff;
	v22 =	vperm.xlane v20, v3;
	_ =	sdelay $0x1  }
0x64: {  	v22 =	vadd.s32 v13, v22;
	_ =	sdelay $0x3  }
0x65: {  	[tilespmem:s17+$0xFFFFFFD0] =	vst v21  }
0x66: {  	v21 =	vld.idx.msk [tilespmem:v22+s2+$0x0], $0xffff;
	v22 =	vperm.xlane v20, v4;
	_ =	sdelay $0x1  }
0x67: {  	v22 =	vadd.s32 v14, v22;
	_ =	sdelay $0x3  }
0x68: {  	[tilespmem:s17+$0xFFFFFFE0] =	vst v21  }
0x69: {  	v21 =	vld.idx.msk [tilespmem:v22+s2+$0x0], $0xffff;
	v22 =	vperm.xlane v20, v5;
	_ =	sdelay $0x1  }
0x6a: {  	v22 =	vadd.s32 v15, v22;
	_ =	sdelay $0x3  }
0x6b: {  	[tilespmem:s17+$0xFFFFFFF0] =	vst v21  }
0x6c: {  	v21 =	vld.idx.msk [tilespmem:v22+s2+$0x0], $0xffff;
	v22 =	vperm.xlane v20, v6;
	_ =	sdelay $0x1  }
0x6d: {  	v22 =	vadd.s32 v16, v22;
	_ =	sdelay $0x3  }
0x6e: {  	[tilespmem:s17+$0x0] =	vst v21  }
0x6f: {  	v21 =	vld.idx.msk [tilespmem:v22+s2+$0x0], $0xffff;
	v22 =	vperm.xlane v20, v7;
	_ =	sdelay $0x1  }
0x70: {  	v22 =	vadd.s32 v17, v22;
	_ =	sdelay $0x3  }
0x71: {  	[tilespmem:s17+$0x10] =	vst v21  }
0x72: {  	v21 =	vld.idx.msk [tilespmem:v22+s2+$0x0], $0xffff;
	v22 =	vperm.xlane v20, v8;
	_ =	sdelay $0x1  }
0x73: {  	v22 =	vadd.s32 v18, v22;
	_ =	sdelay $0x3  }
0x74: {  	[tilespmem:s17+$0x20] =	vst v21  }
0x75: {  	v20 =	vperm.xlane v20, v9;
	v21 =	vld.idx.msk [tilespmem:v22+s2+$0x0], $0xffff;
	_ =	sdelay $0x1  }
0x76: {  	v20 =	vadd.s32 v19, v20;
	_ =	sdelay $0x2  }
0x77: {  	s21 =	sand.u32 $0xFFE0, s18;
	s18 =	smov.u32 s20  }
0x78: {  	[tilespmem:s21+$0x2200] =	vst v21  }
0x79: {  	v20 =	vld.idx.msk [tilespmem:v20+s2+$0x0], $0xffff;
	_ =	sdelay $0x2  }
.Ltmp0:
0x7a: {  	(pc) =	sbr.rel @p0 .LBB2_3-.Ltmp0, $3  }
0x7b: {  	_ =	sdelay $0x1  }
0x7c: {  	s19 =	sadd.s32 $0x10, s19;
	[tilespmem:s17+$0x40] =	vst v20  }
0x7d: {  	s20 =	sadd.s32 $0xA0, s20;
	v20 =	vld [tilespmem:s19+$0x0]  }
0x7e: {  	_ =	sdelay $0x3  }
0x7f: {  	v20 =	vmul.u32 $0xA, v20;
	_ =	sdelay $0x1  }
0x80: {  	v21 =	vperm.xlane v20, v0;
	_ =	sdelay $0x1  }
0x81: {  	v21 =	vadd.s32 v10, v21;
	_ =	sdelay $0x3  }
0x82: {  	v22 =	vperm.xlane v20, v1  }
0x83: {  	v21 =	vld.idx.msk [tilespmem:v21+s2+$0x0], $0xffff  }
0x84: {  	v22 =	vadd.s32 v11, v22;
	_ =	sdelay $0x2  }
0x85: {  	s17 =	sadd.s32 $0xA0, s17  }
0x86: {  	v57 =	vperm.xlane v20, v2;
	[tilespmem:s17+$0xFFFFFFB0] =	vst v21  }
0x87: {  	v22 =	vld.idx.msk [tilespmem:v22+s2+$0x0], $0xffff  }
0x88: {  	v21 =	vadd.s32 v12, v57;
	_ =	sdelay $0x3  }
0x89: {  	v58 =	vperm.xlane v20, v3;
	[tilespmem:s17+$0xFFFFFFC0] =	vst v22  }
0x8a: {  	v21 =	vld.idx.msk [tilespmem:v21+s2+$0x0], $0xffff  }
0x8b: {  	v22 =	vadd.s32 v13, v58;
	_ =	sdelay $0x3  }
0x8c: {  	v59 =	vperm.xlane v20, v4;
	[tilespmem:s17+$0xFFFFFFD0] =	vst v21  }
0x8d: {  	v22 =	vld.idx.msk [tilespmem:v22+s2+$0x0], $0xffff  }
0x8e: {  	v21 =	vadd.s32 v14, v59;
	_ =	sdelay $0x3  }
0x8f: {  	v60 =	vperm.xlane v20, v5;
	[tilespmem:s17+$0xFFFFFFE0] =	vst v22  }
0x90: {  	v21 =	vld.idx.msk [tilespmem:v21+s2+$0x0], $0xffff  }
0x91: {  	v22 =	vadd.s32 v15, v60;
	_ =	sdelay $0x3  }
0x92: {  	v61 =	vperm.xlane v20, v6;
	[tilespmem:s17+$0xFFFFFFF0] =	vst v21  }
0x93: {  	v22 =	vld.idx.msk [tilespmem:v22+s2+$0x0], $0xffff  }
0x94: {  	v21 =	vadd.s32 v16, v61;
	_ =	sdelay $0x3  }
0x95: {  	v62 =	vperm.xlane v20, v7;
	[tilespmem:s17+$0x0] =	vst v22  }
0x96: {  	v21 =	vld.idx.msk [tilespmem:v21+s2+$0x0], $0xffff  }
0x97: {  	v22 =	vadd.s32 v17, v62;
	_ =	sdelay $0x3  }
0x98: {  	v63 =	vperm.xlane v20, v8;
	[tilespmem:s17+$0x10] =	vst v21  }
0x99: {  	v22 =	vld.idx.msk [tilespmem:v22+s2+$0x0], $0xffff  }
0x9a: {  	v21 =	vadd.s32 v18, v63;
	_ =	sdelay $0x3  }
0x9b: {  	v20 =	vperm.xlane v20, v9;
	[tilespmem:s17+$0x20] =	vst v22  }
0x9c: {  	v21 =	vld.idx.msk [tilespmem:v21+s2+$0x0], $0xffff  }
0x9d: {  	v20 =	vadd.s32 v19, v20;
	_ =	sdelay $0x2  }
0x9e: {  	s18 =	sand.u32 $0xFFE0, s18  }
0x9f: {  	[tilespmem:s18+$0x2200] =	vst v21  }
0xa0: {  	v20 =	vld.idx.msk [tilespmem:v20+s2+$0x0], $0xffff;
	_ =	sdelay $0x1  }
0xa1: {  	s16 =	smul.u32 $0xA, s16  }
0xa2: {  	s15 =	sadd.s32 $0x1, s15  }
0xa3: {  	p0 =	sne.s32 s15, $0x19;
	s16 =	sshrl.u32 s16, $0x3  }
.Ltmp1:
0xa4: {  	s16 =	sadd.s32 s1, s16;
	[tilespmem:s17+$0x40] =	vst v20;
	(pc) =	sbr.rel @p0 .LBB2_2-.Ltmp1, $4  }
0xa5: {  	[hbm4b:s16+s2] =	stream.linear.scatter [tilespmem:s13], [sflag:$0x1], $0xA000, $0x38;
	[tilespmem:$0xC180] =	vst v63  }
0xa6: {  	_ =	swait.ge [sflag:s10], $0xA000  }
0xa7: {  	[sflag:s10] =	ssyncset.done $0x0  }
0xa8: {  	[sflag:s10] =	ssyncadd.s32 $0xFFFF6000  }
0xa9: {  	s14 =	sadd.s32 $0x1, s14  }
0xaa: {  	p0 =	sne.s32 s14, s9  }
.Ltmp2:
0xab: {  	_ = 	snop;
	(pc) =	sbr.rel @p0 .LBB2_1-.Ltmp2, $1  }
0xac: {  	_ =	sdelay $0x3  }
0xad: {  	_ =	sfence.sel $0x180000  }
0xae: {  	[bflag:$0x0] =	sbarrier.arrive $0xFFFF  }
0xaf: {  	p0 =	sne.s32 s3, $0x0;
	_ =	strace $0x90000047  }
0xb0: {  	s0 =	sadd.s32 @!p0 $0x100000, s0;
	[bflag:$0x2] =	sbarrier.arrive $0xFFFF  }
0xb1: {  	[sflag:s0] =	ssyncadd.tile.s32 @!p0 $0x1;
	_ =	shalt  }
.Lfunc_end2:
_tile_overlayer_lowered:
.L_overlay_start_2:
0xb2: {  	(tag) =	ssettag $0x2  }
0xb3: {  	s0 =	rddreg [dreg:$0x0];
	s2 =	stileid.u32  }
0xb4: {  	s1 =	rddreg [dreg:$0x1];
	p0 =	sne.s32 s2, $0x0  }
0xb5: {  	s3 =	rddreg [dreg:$0x2];
	[bflag:$0x3] =	sbarrier.arrive $0xFFFF;
	s2 =	simm.s32 @!p0 $0x1C01  }
0xb6: {  	[timem:s3], [sflag:s2] =	dma.local @!p0 [hbm:s0], s1  }
0xb7: {  	s0 =	simm.s32 @!p0 $0x1  }
0xb8: {  	_ =	swait.ge @!p0 [sflag:s0], s1  }
0xb9: {  	s1 =	ssub.s32 @!p0 $0x0, s1;
	[sflag:s0] =	ssyncset.done @!p0 $0x0  }
0xba: {  	[sflag:s0] =	ssyncadd.s32 @!p0 s1  }
0xbb: {  	[bflag:$0x3] =	sbarrier.arrive $0xFFFF  }
0xbc: {  	_ =	shalt  }

// kernel: sparse-core-data-format-call.cloned.1.call-start
scs
called_computation_lowered:
.L_overlay_start_0:
0x0: {  	s2 =	sld [smem:$0x3FD9]  }
0x1: {  	s3 =	sld [smem:$0x3FFE];
	_ =	sdelay $0x1  }
0x2: {  	s1 =	srdreg.scid  }
0x3: {  	s0 =	sand.u32 $0x1, s1  }
0x4: {  	s18 =	sshll.u32 s0, $0xA;
	s2 =	sadd.s32 s3, s2  }
0x5: {  	s2 =	sadd.s32 s2, s18  }
0x6: {  	[smem:$0x3FC6] =	sst s2  }
0x7: {  	_ = 	snop  }
0x8: {  	s2 =	sld [smem:$0x3FD0];
	(tm) =	ssettm $0x1  }
0x9: {  	s19 =	sld [smem:$0x3FFB];
	_ =	sdelay $0x3  }
0xa: {  	_ =	strace s19  }
0xb: {  	s3 =	sld [smem:$0x3FFC];
	_ =	sdelay $0x3  }
0xc: {  	_ =	strace s3  }
0xd: {  	s3 =	sld [smem:$0x3FFD];
	_ =	sdelay $0x3  }
0xe: {  	_ =	strace s3  }
0xf: {  	_ =	strace $0x8FFFFFFF  }
0x10: {  	s20 =	sld [smem:$0x3FDB];
	_ =	sdelay $0x1  }
0x11: {  	s4 =	simm.s32 $_scs_section_size  }
0x12: {  	s5 =	simm.s32 $_size__tile_overlayer_lowered;
	s6 =	simm.s32 $_tile_overlayer_lowered  }
0x13: {  	s23 =	simm.s32 $0x1BFF;
	s22 =	sshll.u32 s6, $0x1;
	s3 =	sadd.s32 s4, s20  }
0x14: {  	s7 =	simm.s32 $0x0;
	s21 =	sshll.u32 s5, $0x1;
	s5 =	sadd.s32 s22, s3  }
0x15: {  	[timem:s7], [sflag:s23] =	dma.local [hbm:s5], s21  }
0x16: {  	_ =	swait.ge [sflag:s23], s21  }
0x17: {  	s4 =	ssub.s32 $0x0, s21;
	[sflag:s23] =	ssyncset.done $0x0  }
0x18: {  	[sflag:s23] =	ssyncadd.s32 s4;
	_ =	sdelay $0x1  }
0x19: {  	s24 =	simm.s32 $0x1B8B  }
0x1a: {  	_ =	swait.ge [sflag:s24], $0x1  }
0x1b: {  	[sflag:s24] =	ssyncset.done $0x0  }
0x1c: {  	s26 =	simm.s32 $0x1B8E;
	s25 =	sld [smem:$0x3FFE];
	[sflag:s24] =	ssyncadd.s32 $0xFFFFFFFF  }
0x1d: {  	s27 =	simm.s32 $execute0_lowered;
	[smem:$0x3FD2] =	sst s26  }
0x1e: {  	s5 =	sshll.u32 s27, $0x1;
	_ =	strace $0x80000049;
	[dreg:$0x1] =	wrdreg $0xFFFFFFFF  }
0x1f: {  	s28 =	simm.s32 $_size_execute0_lowered;
	s3 =	sadd.s32 s3, s5;
	[dreg:$0x0] =	wrdreg $0x0  }
0x20: {  	s5 =	sshll.u32 s28, $0x1;
	[dreg:$0x2] =	wrdreg s3  }
0x21: {  	[dreg:$0x3] =	wrdreg s5  }
0x22: {  	[dreg:$0x4] =	wrdreg $0xC0  }
0x23: {  	_ =	task [dreg:s7], $0x5FFFF  }
0x24: {  	[dreg:$0x1] =	wrdreg $0xFFFFFFFF  }
0x25: {  	[dreg:$0x0] =	wrdreg $0x60  }
0x26: {  	[dreg:$0x2] =	wrdreg s25  }
0x27: {  	[dreg:$0x3] =	wrdreg s2  }
0x28: {  	[dreg:$0x4] =	wrdreg $0x9  }
0x29: {  	_ =	task.clear_ibuf [dreg:s7], $0x5FFFF;
	_ =	strace $0x90000049  }
0x2a: {  	s29 =	simm.s32 $0x9;
	_ =	strace $0x8000004B  }
0x2b: {  	_ =	swait.ge [sflag:s29], $0x1  }
0x2c: {  	[sflag:s29] =	ssyncadd.s32 $0xFFFFFFFF  }
0x2d: {  	_ =	strace $0x9000004B  }
0x2e: {  	_ =	sfence  }
0x2f: {  	s30 =	sld [smem:$0x0];
	_ =	sdelay $0x2  }
0x30: {  	s31 =	sshll.u32 s1, $0xD;
	s1 =	sshrl.u32 s1, $0x2  }
0x31: {  	s3 =	sand.u32 $0x4000, s31;
	s1 =	sadd.s32 s1, s30  }
0x32: {  	s0 =	sor.u32 s3, s0;
	s1 =	sshll.u32 s1, $0x11  }
0x33: {  	s0 =	sor.u32 s1, s0  }
0x34: {  	s0 =	sadd.s32 $0x8F2B, s0  }
0x35: {  	[sflag:s0] =	ssyncadd.remote.s32 $0x1  }
0x36: {  	_ =	sfence.sel $0xFFFF  }
0x37: {  	[dreg:$0x0] =	wrdreg $0xFFFFFFFF;
	(pc) =	sbr.abs _section_cstart, $3  }
0x38: {  	[dreg:$0x1] =	wrdreg $0xFFFFFFFF  }
0x39: {  	_ =	task.clear_ibuf [dreg:s7], $0x2FFFF;
	_ =	strace $0x9FFFFFFF  }
0x3a: {  	(tm) =	ssettm $0x7FFFFFFF  }
0x3b: {  	_ =	shalt  }
tec
execute0_lowered:
.L_overlay_start_1:
0x0: {  	(tag) =	ssettag $0x1  }
0x1: {  	s0 =	srdreg.scid  }
0x2: {  	s1 =	sshll.u32 s0, $0x4  }
0x3: {  	s6 =	rddreg [dreg:$0x0];
	s0 =	stileid.u32;
	s1 =	sand.u32 $0x10, s1  }
0x4: {  	s3 =	rddreg [dreg:$0x1];
	s1 =	sor.u32 s0, s1  }
0x5: {  	s5 =	simm.s32 $0x1;
	s31 =	simm.s32 $0x2;
	s2 =	sshll.u32 s1, $0x7  }
0x6: {  	s15 =	simm.s32 $0x0;
	s8 =	simm.s32 $0x320000;
	s4 =	ssub.s32 $0x4000, s2  }
0x7: {  	s14 =	simm.s32 $0x0;
	s9 =	simm.s32 $0x0;
	s30 =	sand.u32 $0xF80, s4  }
0x8: {  	s10 =	simm.s32 $0x0;
	s11 =	simm.s32 $0x0;
	p0 =	sne.s32 s30, $0x0  }
.Ltmp0:
0x9: {  	s7 =	sshrl.u32 s4, $0xC;
	s5 =	simm.s32 @!p0 $0x0;
	(pc) =	sbr.rel .LBB1_1-.Ltmp0, $4  }
0xa: {  	s13 =	simm.s32 $0x0;
	s1 =	rddreg [dreg:$0x2];
	s5 =	sadd.s32 s5, s7  }
0xb: {  	_ =	strace $0x8000004A;
	s4 =	simm.s32 $0x1;
	s5 =	smul.u32 $0xC8, s5  }
0xc: {  	s6 =	sadd.s32 $0x800, s6;
	s12 =	smov.u32 s2;
	[sflag:s4] =	ssyncpa.u1 $0x0  }
0xd: {  	[sflag:s31] =	ssyncpa.u1 $0x0;
	p0 =	por $0x0, $0x0;
	s7 =	sor.u32 $0x1, s5  }
.LBB1_4:
0xe: {  	s18 =	sshll.u32 s9, $0xE;
	s19 =	sand.u32 $0x78, s10;
	s20 =	sshll.u32 s10, $0x3  }
0xf: {  	s22 =	sshll.u32 s9, $0x7;
	p1 =	sgt.s32 s9, $0xC7;
	s25 =	sshra.s32 s9, $0x1F  }
0x10: {  	s23 =	smov.u32 s10;
	s24 =	sshra.s32 s10, $0x1F;
	s29 =	sand.u32 $0x7, s10  }
0x11: {  	s18 =	sand.u32 $0xFFFE0000, s18;
	s21 =	sand.u32 $0xFFFFFC00, s20;
	s20 =	sand.u32 $0x3C00, s20  }
0x12: {  	s30 =	sand.u32 $0x380, s22;
	s22 =	sand.u32 s25, s9;
	s18 =	sadd.s32 s21, s18  }
0x13: {  	s19 =	sor.u32 s19, s20;
	s20 =	smov.u32 s9;
	s18 =	sshrl.u32 s18, $0xE  }
0x14: {  	s20 =	simm.s32 @!p1 $0xC7;
	p1 =	sgt.s32 s10, $0x3F80;
	s31 =	smulhi.u32 $0x147AE15, s18  }
0x15: {  	s26 =	sand.u32 s24, s10;
	s20 =	ssub.s32 s20, s22;
	s23 =	simm.s32 @!p1 $0x3F80  }
0x16: {  	s27 =	ssub.s32 $0xC8, s20;
	s22 =	ssub.s32 s23, s26;
	s21 =	smul.u32 $0xC8, s31  }
0x17: {  	s20 =	sadd.s32 $0xFFFFFF39, s20;
	s23 =	smul.u32 $0xA, s27;
	s28 =	sadd.s32 $0xFFFFC080, s22  }
0x18: {  	p1 =	sgt.s32 s20, $0x0;
	s20 =	ssub.s32 $0x4000, s22;
	p2 =	sgt.s32 s28, $0x7F  }
0x19: {  	s19 =	sor.u32 s30, s19;
	s23 =	simm.s32 @p1 $0x0;
	s20 =	simm.s32 @p2 $0x0  }
0x1a: {  	s19 =	sshrl.u32 s19, $0x3;
	s18 =	ssub.s32 s18, s21;
	s20 =	smul.u32 s20, s23  }
0x1b: {  	s19 =	sadd.s32 s3, s19;
	s21 =	sshll.u32 s29, $0x12;
	s18 =	sshll.u32 s18, $0xB  }
0x1c: {  	[tilespmem:s17+$0x0 ss:$0x81] =	vst.msk $0xffff, v0;
	s31 =	sor.u32 $0x80, s21;
	s18 =	sadd.s32 s18, s19;
	s30 =	sand.u32 $0x3FFFFFFE, s20  }
0x1d: {  	[hbm4b:s18+s31] =	stream.strided.scatter [tilespmem:s16], [sflag:$0x2], s30, s8, s31, $0x20;
	[tilespmem:$0x2020] =	vst v63  }
.LBB1_5:
0x1e: {  	p1 =	slt.u32 s13, $0x2  }
0x1f: {  	s17 =	smov.u32 s15;
	p2 =	sgt.s32 @!p1 s15, $0xC7;
	s16 =	sshra.s32 @!p1 s15, $0x1F  }
0x20: {  	p3 =	sgt.s32 @!p1 s14, $0x3F80;
	s18 =	sshra.s32 @!p1 s14, $0x1F;
	p2 =	por !p2, p1  }
0x21: {  	s15 =	sand.u32 @!p1 s16, s15;
	p3 =	por !p3, p1;
	s16 =	smov.u32 s14  }
0x22: {  	s14 =	sand.u32 @!p1 s18, s14;
	s17 =	simm.s32 @p2 $0xC7;
	s16 =	simm.s32 @p3 $0x3F80  }
0x23: {  	s18 =	smov.u32 s12;
	s15 =	ssub.s32 @!p1 s17, s15;
	s14 =	ssub.s32 @!p1 s16, s14  }
0x24: {  	s16 =	sadd.s32 @!p1 $0xFFFFFF39, s15;
	s15 =	ssub.s32 @!p1 $0xC8, s15;
	s17 =	sadd.s32 @!p1 $0xFFFFC080, s14  }
0x25: {  	p2 =	sgt.s32 @!p1 s16, $0x0;
	s15 =	smul.u32 @!p1 $0xA, s15;
	p3 =	sgt.s32 @!p1 s17, $0x7F  }
0x26: {  	s14 =	ssub.s32 @!p1 $0x4000, s14;
	p2 =	por !p2, p1;
	p3 =	por !p3, p1  }
0x27: {  	s16 =	sadd.s32 $0x1, s11;
	s15 =	simm.s32 @!p2 $0x0;
	s14 =	simm.s32 @!p3 $0x0  }
0x28: {  	p2 =	sgt.s32 s16, $0xC7;
	s14 =	smul.u32 @!p1 s14, s15;
	s15 =	sadd.s32 $0x1000, s12  }
0x29: {  	s18 =	smov.u32 @p2 s15  }
0x2a: {  	s16 =	simm.s32 @p2 $0x0;
	p2 =	sgt.s32 s18, $0x3FFF  }
0x2b: {  	s18 =	smov.u32 @p2 s2;
	p2 =	sne.s32 s13, s7  }
.Ltmp1:
0x2c: {  	p0 =	por !p0, !p0;
	s17 =	simm.s32 @!p1 $0x2;
	(pc) =	sbr.rel @!p2 .LBB1_6-.Ltmp1, $4  }
0x2d: {  	s15 =	smov.u32 s9;
	s9 =	smov.u32 s11;
	s14 =	sand.u32 @!p1 $0x3FFFFFFE, s14  }
0x2e: {  	s11 =	smov.u32 s16;
	_ =	swait.ge @!p1 [sflag:s17], s14;
	s19 =	ssub.s32 @!p1 $0x0, s14  }
0x2f: {  	s14 =	smov.u32 s10;
	s13 =	sadd.s32 $0x1, s13;
	[sflag:s17] =	ssyncset.done @!p1 $0x0  }
0x30: {  	s10 =	smov.u32 s12;
	s12 =	smov.u32 s18;
	[sflag:s17] =	ssyncadd.s32 @!p1 s19  }
.LBB1_1:
0x31: {  	p1 =	sge.u32 s13, s5  }
0x32: {  	s16 =	sand.u32 @!p1 $0x1FFFFFF, s11  }
0x33: {  	s17 =	smulhi.u32 @!p1 $0x147AE15, s16;
	_ =	sdelay $0x1  }
0x34: {  	s17 =	smul.u32 @!p1 $0xC8, s17  }
0x35: {  	s18 =	sxor.u32 @!p1 $0xFFFFFFFF, s13;
	s19 =	smul.u32 @!p1 $0xC80, s12  }
0x36: {  	s31 =	sadd.s32 $0xFFFFFFFF, s13;
	s18 =	sshll.u32 @!p1 s18, $0xB;
	s16 =	ssub.s32 @!p1 s16, s17  }
0x37: {  	s17 =	sand.u32 @!p1 $0x800, s18;
	s18 =	sadd.s32 @!p1 s6, s19;
	s16 =	sshll.u32 @!p1 s16, $0x4  }
0x38: {  	s19 =	simm.s32 @!p1 $0x6400;
	s16 =	sadd.s32 @!p1 s16, s18;
	s18 =	simm.s32 @!p1 $0x10  }
0x39: {  	[tilespmem:s17], [sflag:$0x1] =	stream.strided.gather @!p1 [hbm4b:s16+s18], $0x800, s19, s18, $0x38;
	[tilespmem:$0x2020] =	vst v63  }
0x3a: {  	p1 =	sge.u32 s31, s5  }
.Ltmp2:
0x3b: {  	_ = 	snop;
	(pc) =	sbr.rel @p1 .LBB1_5-.Ltmp2, $1  }
0x3c: {  	_ =	sdelay $0x3  }
0x3d: {  	s16 =	simm.s32 $0x1  }
0x3e: {  	s16 =	simm.s32 @!p0 $0x0  }
0x3f: {  	s17 =	sshll.u32 s16, $0xB  }
0x40: {  	v1 =	vmov s17;
	_ =	sdelay $0x1  }
0x41: {  	_ =	swait.ge [sflag:s4], $0x800  }
0x42: {  	s31 =	sand.u32 $0x1, s13;
	[sflag:s4] =	ssyncset.done $0x0  }
0x43: {  	s19 =	simm.s32 $0x0;
	s16 =	smul.u32 $0x2040, s16;
	[sflag:s4] =	ssyncadd.s32 $0xFFFFF800  }
0x44: {  	s17 =	smul.u32 $0x2040, s31;
	v0 =	vld.idx.msk [tilespmem:v1+s19+$0x0 ss:$0x1], $0xffff;
	_ =	sdelay $0x1  }
0x45: {  	s16 =	sshrl.u32 s16, $0x2;
	s18 =	sshrl.u32 s17, $0x2  }
0x46: {  	s17 =	sor.u32 $0x1000, s16;
	s16 =	sor.u32 $0x1000, s18;
	s18 =	simm.s32 $0x40  }
.LBB1_3:
0x47: {  	s19 =	sshra.s32 s18, $0x2;
	p1 =	sne.s32 s18, $0x1FC0;
	s18 =	sadd.s32 $0x40, s18  }
.Ltmp3:
0x48: {  	[tilespmem:s17+$0x0 ss:$0x81] =	vst.msk $0xffff, v0;
	v0 =	vld.idx.msk [tilespmem:v1+s19+$0x0 ss:$0x1], $0xffff;
	(pc) =	sbr.rel @p1 .LBB1_3-.Ltmp3, $2  }
0x49: {  	_ =	sdelay $0x2  }
0x4a: {  	s17 =	sadd.s32 $0x1, s17  }
.Ltmp4:
0x4b: {  	_ = 	snop;
	(pc) =	sbr.rel .LBB1_4-.Ltmp4, $1  }
0x4c: {  	_ =	sdelay $0x3  }
.LBB1_6:
0x4d: {  	_ =	sfence.sel $0x180000  }
0x4e: {  	s2 =	simm.s32 $0x1;
	[bflag:$0x0] =	sbarrier.arrive $0xFFFF  }
0x4f: {  	s31 =	simm.s32 $0x2;
	[sflag:s2] =	ssyncpa.u1 $0x1  }
0x50: {  	[sflag:s31] =	ssyncpa.u1 $0x1  }
0x51: {  	p0 =	sne.s32 s0, $0x0;
	_ =	strace $0x9000004A  }
0x52: {  	s0 =	sadd.s32 @!p0 $0x100000, s1;
	[bflag:$0x2] =	sbarrier.arrive $0xFFFF  }
0x53: {  	[sflag:s0] =	ssyncadd.tile.s32 @!p0 $0x1;
	_ =	shalt  }
.Lfunc_end1:
_tile_overlayer_lowered:
.L_overlay_start_2:
0x54: {  	(tag) =	ssettag $0x2  }
0x55: {  	s0 =	rddreg [dreg:$0x0];
	s2 =	stileid.u32  }
0x56: {  	s1 =	rddreg [dreg:$0x1];
	p0 =	sne.s32 s2, $0x0  }
0x57: {  	s3 =	rddreg [dreg:$0x2];
	[bflag:$0x3] =	sbarrier.arrive $0xFFFF;
	s2 =	simm.s32 @!p0 $0x1C01  }
0x58: {  	[timem:s3], [sflag:s2] =	dma.local @!p0 [hbm:s0], s1  }
0x59: {  	s0 =	simm.s32 @!p0 $0x1  }
0x5a: {  	_ =	swait.ge @!p0 [sflag:s0], s1  }
0x5b: {  	s1 =	ssub.s32 @!p0 $0x0, s1;
	[sflag:s0] =	ssyncset.done @!p0 $0x0  }
0x5c: {  	[sflag:s0] =	ssyncadd.s32 @!p0 s1  }
0x5d: {  	[bflag:$0x3] =	sbarrier.arrive $0xFFFF  }
0x5e: {  	_ =	shalt  }

</sc_bundles>
